<compile_context>
chip_gen: v7x
topology: tpu7x:2x2x1
jax: 0.10.2.dev20260603
libtpu: 0.0.44.dev20260713+nightly
codegen_flags: <defaults>
</compile_context>

<pallas_src>
import functools

import jax
import jax.numpy as jnp
from jax import lax
from jax.experimental import pallas as pl
from jax.experimental.pallas import tpu as pltpu
from jax.experimental.pallas import tpu_sc as plsc

_B = 16384
_T = 10
_F = 5
_V = 20
_NC = 2
_NS = 16
_NW = _NC * _NS
_BPW = _B // _NW
_L = 16
_CHUNKS = _BPW // _L


def _sc_body(idx_hbm, tab_hbm, out_hbm, idx_v, tab_v, out_v,
             sem_t, sem_a):
    wid = lax.axis_index("s") * _NC + lax.axis_index("c")
    base = wid * _BPW
    ctab = pltpu.async_copy(tab_hbm, tab_v, sem_t)
    cidx = pltpu.async_copy(idx_hbm.at[:, pl.ds(base, _BPW)], idx_v, sem_a)

    fsplat = [jnp.full((_L,), f, jnp.int32) for f in range(_F)]

    ctab.wait()
    cidx.wait()

    @plsc.parallel_loop(0, _CHUNKS, step=1, unroll=1)
    def chunk(c):
        col = c * _L
        acc0 = [None] * _F
        acc1 = [None] * _F
        for t in range(_T):
            idx16 = idx_v[t, pl.ds(col, _L)]
            for f in range(_F):
                v = plsc.load_gather(tab_v, [fsplat[f], idx16])
                if t < 5:
                    acc0[f] = v if acc0[f] is None else acc0[f] * v
                else:
                    acc1[f] = v if acc1[f] is None else acc1[f] * v
        for f in range(_F):
            out_v[f, pl.ds(col, _L)] = (acc0[f] + acc1[f]) * 0.5

    pltpu.sync_copy(out_v, out_hbm.at[:, pl.ds(base, _BPW)])


_sc_kernel = functools.partial(
    pl.kernel,
    out_type=jax.ShapeDtypeStruct((_F, _B), jnp.float32),
    mesh=plsc.VectorSubcoreMesh(core_axis_name="c", subcore_axis_name="s"),
    compiler_params=pltpu.CompilerParams(needs_layout_passes=False),
    scratch_types=[
        pltpu.VMEM((_T, _BPW), jnp.int32),
        pltpu.VMEM((_F, _V), jnp.float32),
        pltpu.VMEM((_F, _BPW), jnp.float32),
        pltpu.SemaphoreType.DMA,
        pltpu.SemaphoreType.DMA,
    ],
)(_sc_body)


def kernel(inputs, table):
    out_t = _sc_kernel(inputs.T.astype(jnp.int32), table.T)
    return out_t.T

# --- scband reference (transcript-rebuilt; emitter-appended) ---
"""Pipeline reference for scband-my-model-87522843560448 (READ-ONLY COPY).

The authoritative reference and input builder live on the scoring server;
editing this copy changes nothing except your own understanding.
"""

import jax, jax.numpy as jnp
import numpy as np


def setup_inputs(seed: int = 0) -> dict:
    key = jax.random.key(seed)
    k1, k2 = jax.random.split(key)
    inputs = jax.random.randint(k1, (16384, 10), 0, 20)
    table = jax.random.normal(k2, (20, 5), dtype=jnp.float32)
    return {"inputs": inputs, "table": table}


def reference(inputs, table):
    # Embedding lookup (gather)
    x = jnp.take(table, inputs, axis=0)  # [B, 10, 5]
    # MyLayer1: transpose, unsorted_segment_prod over the seq axis, transpose back
    x_t = jnp.transpose(x, (1, 0, 2))  # [10, B, 5]
    segments = jnp.array([0, 0, 0, 0, 0, 1, 1, 1, 1, 1], dtype=jnp.int32)
    # segment product: multiply-scatter into ones-initialized buffer
    prod = jnp.ones((2,) + x_t.shape[1:], dtype=x_t.dtype).at[segments].multiply(x_t)  # [2, B, 5]
    out = jnp.transpose(prod, (1, 0, 2))  # [B, 2, 5]
    # GlobalAveragePooling1D: mean over the steps axis
    return jnp.mean(out, axis=1)  # [B, 5]

if __name__ == "__main__":
    import jax
    _d = setup_inputs()
    print(jax.jit(kernel)(*tuple(_d.values())))

</pallas_src>

<mosaic_0001>
#map = affine_map<(d0, d1) -> (0, 0)>
module attributes {stable_mosaic.version = 14 : i64} {
  func.func @_sc_body(%arg0: i32, %arg1: i32, %arg2: memref<10x16384xi32, #tpu.memory_space<hbm>>, %arg3: memref<5x20xf32, #tpu.memory_space<hbm>>, %arg4: memref<5x16384xf32, #tpu.memory_space<hbm>>, %arg5: memref<10x512xi32, #tpu.memory_space<vmem>>, %arg6: memref<5x20xf32, #tpu.memory_space<vmem>>, %arg7: memref<5x512xf32, #tpu.memory_space<vmem>>, %arg8: memref<!tpu.dma_semaphore, #tpu.memory_space<semaphore_mem>>, %arg9: memref<!tpu.dma_semaphore, #tpu.memory_space<semaphore_mem>>) attributes {dimension_semantics = [#tpu.dimension_semantics<core_parallel>, #tpu.dimension_semantics<subcore_parallel>], iteration_bounds = array<i64: 2, 16>, scalar_prefetch = 0 : i64, scratch_operands = 5 : i64, tpu.core_type = #tpu.core_type<sc_vector_subcore>, window_params = [{transform_indices = #map}, {transform_indices = #map}, {transform_indices = #map}]} {
    %mul3A = arith.constant 2 : i32
    %mul3A_0 = arith.muli %arg1, %mul3A : i32
    %add3A = arith.addi %mul3A_0, %arg0 : i32
    %mul3A_1 = arith.constant 512 : i32
    %mul3A_2 = arith.muli %add3A, %mul3A_1 : i32
    tpu.enqueue_dma source(%arg3 : memref<5x20xf32, #tpu.memory_space<hbm>>) target(%arg6 : memref<5x20xf32, #tpu.memory_space<vmem>>) target_semaphore(%arg8 : memref<!tpu.dma_semaphore, #tpu.memory_space<semaphore_mem>>)
    %dma_start3A = arith.constant 0 : i32
    %dma_start3A_3 = tpu.memref_slice %arg2[%dma_start3A, %mul3A_2] : memref<10x16384xi32, #tpu.memory_space<hbm>> -> memref<10x512xi32, #tpu.memory_space<hbm>>
    %dma_start3A_4 = arith.constant 0 : i32
    %dma_start3A_5 = tpu.memref_slice %arg2[%dma_start3A_4, %mul3A_2] : memref<10x16384xi32, #tpu.memory_space<hbm>> -> memref<10x512xi32, #tpu.memory_space<hbm>>
    tpu.enqueue_dma source(%dma_start3A_5 : memref<10x512xi32, #tpu.memory_space<hbm>>) target(%arg5 : memref<10x512xi32, #tpu.memory_space<vmem>>) target_semaphore(%arg9 : memref<!tpu.dma_semaphore, #tpu.memory_space<semaphore_mem>>)
    %broadcast_in_dim3A = arith.constant 0 : i32
    %broadcast_in_dim3A_6 = vector.broadcast %broadcast_in_dim3A : i32 to vector<16xi32>
    %broadcast_in_dim3A_7 = arith.constant 1 : i32
    %broadcast_in_dim3A_8 = vector.broadcast %broadcast_in_dim3A_7 : i32 to vector<16xi32>
    %broadcast_in_dim3A_9 = arith.constant 2 : i32
    %broadcast_in_dim3A_10 = vector.broadcast %broadcast_in_dim3A_9 : i32 to vector<16xi32>
    %broadcast_in_dim3A_11 = arith.constant 3 : i32
    %broadcast_in_dim3A_12 = vector.broadcast %broadcast_in_dim3A_11 : i32 to vector<16xi32>
    %broadcast_in_dim3A_13 = arith.constant 4 : i32
    %broadcast_in_dim3A_14 = vector.broadcast %broadcast_in_dim3A_13 : i32 to vector<16xi32>
    tpu.wait_dma2 semaphore(%arg8 : memref<!tpu.dma_semaphore, #tpu.memory_space<semaphore_mem>>) src(%arg3 : memref<5x20xf32, #tpu.memory_space<hbm>>) dst(%arg6 : memref<5x20xf32, #tpu.memory_space<vmem>>)
    %dma_wait3A = arith.constant 0 : i32
    %dma_wait3A_15 = tpu.memref_slice %arg2[%dma_wait3A, %mul3A_2] : memref<10x16384xi32, #tpu.memory_space<hbm>> -> memref<10x512xi32, #tpu.memory_space<hbm>>
    %dma_wait3A_16 = arith.constant 0 : i32
    %dma_wait3A_17 = tpu.memref_slice %arg2[%dma_wait3A_16, %mul3A_2] : memref<10x16384xi32, #tpu.memory_space<hbm>> -> memref<10x512xi32, #tpu.memory_space<hbm>>
    tpu.wait_dma2 semaphore(%arg9 : memref<!tpu.dma_semaphore, #tpu.memory_space<semaphore_mem>>) src(%dma_wait3A_17 : memref<10x512xi32, #tpu.memory_space<hbm>>) dst(%arg5 : memref<10x512xi32, #tpu.memory_space<vmem>>)
    %parallel_loop3A = arith.constant 0 : i32
    %parallel_loop3A_18 = arith.constant 32 : i32
    %parallel_loop3A_19 = arith.constant 1 : i32
    scf.for %parallel_loop3A_20 = %parallel_loop3A to %parallel_loop3A_18 step %parallel_loop3A_19  : i32 {
      %parallel_loop3A_21 = arith.constant 16 : i32
      %parallel_loop3A_22 = arith.muli %parallel_loop3A_20, %parallel_loop3A_21 : i32
      %parallel_loop3A_23 = arith.constant 0 : i32
      %parallel_loop3A_24 = arith.index_cast %parallel_loop3A_23 : i32 to index
      %parallel_loop3A_25 = arith.index_cast %parallel_loop3A_22 : i32 to index
      %parallel_loop3A_26 = tpu.vector_load %arg5[%parallel_loop3A_24, %parallel_loop3A_25] {strides = array<i32>} : memref<10x512xi32, #tpu.memory_space<vmem>>, vector<16xi32>,
      %parallel_loop3A_27 = tpu.vector_load_idx %arg6[%broadcast_in_dim3A_6, %parallel_loop3A_26] : memref<5x20xf32, #tpu.memory_space<vmem>>[vector<16xi32>, vector<16xi32>], vector<16xf32>,
      %parallel_loop3A_28 = tpu.vector_load_idx %arg6[%broadcast_in_dim3A_8, %parallel_loop3A_26] : memref<5x20xf32, #tpu.memory_space<vmem>>[vector<16xi32>, vector<16xi32>], vector<16xf32>,
      %parallel_loop3A_29 = tpu.vector_load_idx %arg6[%broadcast_in_dim3A_10, %parallel_loop3A_26] : memref<5x20xf32, #tpu.memory_space<vmem>>[vector<16xi32>, vector<16xi32>], vector<16xf32>,
      %parallel_loop3A_30 = tpu.vector_load_idx %arg6[%broadcast_in_dim3A_12, %parallel_loop3A_26] : memref<5x20xf32, #tpu.memory_space<vmem>>[vector<16xi32>, vector<16xi32>], vector<16xf32>,
      %parallel_loop3A_31 = tpu.vector_load_idx %arg6[%broadcast_in_dim3A_14, %parallel_loop3A_26] : memref<5x20xf32, #tpu.memory_space<vmem>>[vector<16xi32>, vector<16xi32>], vector<16xf32>,
      %parallel_loop3A_32 = arith.constant 1 : i32
      %parallel_loop3A_33 = arith.index_cast %parallel_loop3A_32 : i32 to index
      %parallel_loop3A_34 = arith.index_cast %parallel_loop3A_22 : i32 to index
      %parallel_loop3A_35 = tpu.vector_load %arg5[%parallel_loop3A_33, %parallel_loop3A_34] {strides = array<i32>} : memref<10x512xi32, #tpu.memory_space<vmem>>, vector<16xi32>,
      %parallel_loop3A_36 = tpu.vector_load_idx %arg6[%broadcast_in_dim3A_6, %parallel_loop3A_35] : memref<5x20xf32, #tpu.memory_space<vmem>>[vector<16xi32>, vector<16xi32>], vector<16xf32>,
      %parallel_loop3A_37 = arith.mulf %parallel_loop3A_27, %parallel_loop3A_36 : vector<16xf32>
      %parallel_loop3A_38 = tpu.vector_load_idx %arg6[%broadcast_in_dim3A_8, %parallel_loop3A_35] : memref<5x20xf32, #tpu.memory_space<vmem>>[vector<16xi32>, vector<16xi32>], vector<16xf32>,
      %parallel_loop3A_39 = arith.mulf %parallel_loop3A_28, %parallel_loop3A_38 : vector<16xf32>
      %parallel_loop3A_40 = tpu.vector_load_idx %arg6[%broadcast_in_dim3A_10, %parallel_loop3A_35] : memref<5x20xf32, #tpu.memory_space<vmem>>[vector<16xi32>, vector<16xi32>], vector<16xf32>,
      %parallel_loop3A_41 = arith.mulf %parallel_loop3A_29, %parallel_loop3A_40 : vector<16xf32>
      %parallel_loop3A_42 = tpu.vector_load_idx %arg6[%broadcast_in_dim3A_12, %parallel_loop3A_35] : memref<5x20xf32, #tpu.memory_space<vmem>>[vector<16xi32>, vector<16xi32>], vector<16xf32>,
      %parallel_loop3A_43 = arith.mulf %parallel_loop3A_30, %parallel_loop3A_42 : vector<16xf32>
      %parallel_loop3A_44 = tpu.vector_load_idx %arg6[%broadcast_in_dim3A_14, %parallel_loop3A_35] : memref<5x20xf32, #tpu.memory_space<vmem>>[vector<16xi32>, vector<16xi32>], vector<16xf32>,
      %parallel_loop3A_45 = arith.mulf %parallel_loop3A_31, %parallel_loop3A_44 : vector<16xf32>
      %parallel_loop3A_46 = arith.constant 2 : i32
      %parallel_loop3A_47 = arith.index_cast %parallel_loop3A_46 : i32 to index
      %parallel_loop3A_48 = arith.index_cast %parallel_loop3A_22 : i32 to index
      %parallel_loop3A_49 = tpu.vector_load %arg5[%parallel_loop3A_47, %parallel_loop3A_48] {strides = array<i32>} : memref<10x512xi32, #tpu.memory_space<vmem>>, vector<16xi32>,
      %parallel_loop3A_50 = tpu.vector_load_idx %arg6[%broadcast_in_dim3A_6, %parallel_loop3A_49] : memref<5x20xf32, #tpu.memory_space<vmem>>[vector<16xi32>, vector<16xi32>], vector<16xf32>,
      %parallel_loop3A_51 = arith.mulf %parallel_loop3A_37, %parallel_loop3A_50 : vector<16xf32>
      %parallel_loop3A_52 = tpu.vector_load_idx %arg6[%broadcast_in_dim3A_8, %parallel_loop3A_49] : memref<5x20xf32, #tpu.memory_space<vmem>>[vector<16xi32>, vector<16xi32>], vector<16xf32>,
      %parallel_loop3A_53 = arith.mulf %parallel_loop3A_39, %parallel_loop3A_52 : vector<16xf32>
      %parallel_loop3A_54 = tpu.vector_load_idx %arg6[%broadcast_in_dim3A_10, %parallel_loop3A_49] : memref<5x20xf32, #tpu.memory_space<vmem>>[vector<16xi32>, vector<16xi32>], vector<16xf32>,
      %parallel_loop3A_55 = arith.mulf %parallel_loop3A_41, %parallel_loop3A_54 : vector<16xf32>
      %parallel_loop3A_56 = tpu.vector_load_idx %arg6[%broadcast_in_dim3A_12, %parallel_loop3A_49] : memref<5x20xf32, #tpu.memory_space<vmem>>[vector<16xi32>, vector<16xi32>], vector<16xf32>,
      %parallel_loop3A_57 = arith.mulf %parallel_loop3A_43, %parallel_loop3A_56 : vector<16xf32>
      %parallel_loop3A_58 = tpu.vector_load_idx %arg6[%broadcast_in_dim3A_14, %parallel_loop3A_49] : memref<5x20xf32, #tpu.memory_space<vmem>>[vector<16xi32>, vector<16xi32>], vector<16xf32>,
      %parallel_loop3A_59 = arith.mulf %parallel_loop3A_45, %parallel_loop3A_58 : vector<16xf32>
      %parallel_loop3A_60 = arith.constant 3 : i32
      %parallel_loop3A_61 = arith.index_cast %parallel_loop3A_60 : i32 to index
      %parallel_loop3A_62 = arith.index_cast %parallel_loop3A_22 : i32 to index
      %parallel_loop3A_63 = tpu.vector_load %arg5[%parallel_loop3A_61, %parallel_loop3A_62] {strides = array<i32>} : memref<10x512xi32, #tpu.memory_space<vmem>>, vector<16xi32>,
      %parallel_loop3A_64 = tpu.vector_load_idx %arg6[%broadcast_in_dim3A_6, %parallel_loop3A_63] : memref<5x20xf32, #tpu.memory_space<vmem>>[vector<16xi32>, vector<16xi32>], vector<16xf32>,
      %parallel_loop3A_65 = arith.mulf %parallel_loop3A_51, %parallel_loop3A_64 : vector<16xf32>
      %parallel_loop3A_66 = tpu.vector_load_idx %arg6[%broadcast_in_dim3A_8, %parallel_loop3A_63] : memref<5x20xf32, #tpu.memory_space<vmem>>[vector<16xi32>, vector<16xi32>], vector<16xf32>,
      %parallel_loop3A_67 = arith.mulf %parallel_loop3A_53, %parallel_loop3A_66 : vector<16xf32>
      %parallel_loop3A_68 = tpu.vector_load_idx %arg6[%broadcast_in_dim3A_10, %parallel_loop3A_63] : memref<5x20xf32, #tpu.memory_space<vmem>>[vector<16xi32>, vector<16xi32>], vector<16xf32>,
      %parallel_loop3A_69 = arith.mulf %parallel_loop3A_55, %parallel_loop3A_68 : vector<16xf32>
      %parallel_loop3A_70 = tpu.vector_load_idx %arg6[%broadcast_in_dim3A_12, %parallel_loop3A_63] : memref<5x20xf32, #tpu.memory_space<vmem>>[vector<16xi32>, vector<16xi32>], vector<16xf32>,
      %parallel_loop3A_71 = arith.mulf %parallel_loop3A_57, %parallel_loop3A_70 : vector<16xf32>
      %parallel_loop3A_72 = tpu.vector_load_idx %arg6[%broadcast_in_dim3A_14, %parallel_loop3A_63] : memref<5x20xf32, #tpu.memory_space<vmem>>[vector<16xi32>, vector<16xi32>], vector<16xf32>,
      %parallel_loop3A_73 = arith.mulf %parallel_loop3A_59, %parallel_loop3A_72 : vector<16xf32>
      %parallel_loop3A_74 = arith.constant 4 : i32
      %parallel_loop3A_75 = arith.index_cast %parallel_loop3A_74 : i32 to index
      %parallel_loop3A_76 = arith.index_cast %parallel_loop3A_22 : i32 to index
      %parallel_loop3A_77 = tpu.vector_load %arg5[%parallel_loop3A_75, %parallel_loop3A_76] {strides = array<i32>} : memref<10x512xi32, #tpu.memory_space<vmem>>, vector<16xi32>,
      %parallel_loop3A_78 = tpu.vector_load_idx %arg6[%broadcast_in_dim3A_6, %parallel_loop3A_77] : memref<5x20xf32, #tpu.memory_space<vmem>>[vector<16xi32>, vector<16xi32>], vector<16xf32>,
      %parallel_loop3A_79 = arith.mulf %parallel_loop3A_65, %parallel_loop3A_78 : vector<16xf32>
      %parallel_loop3A_80 = tpu.vector_load_idx %arg6[%broadcast_in_dim3A_8, %parallel_loop3A_77] : memref<5x20xf32, #tpu.memory_space<vmem>>[vector<16xi32>, vector<16xi32>], vector<16xf32>,
      %parallel_loop3A_81 = arith.mulf %parallel_loop3A_67, %parallel_loop3A_80 : vector<16xf32>
      %parallel_loop3A_82 = tpu.vector_load_idx %arg6[%broadcast_in_dim3A_10, %parallel_loop3A_77] : memref<5x20xf32, #tpu.memory_space<vmem>>[vector<16xi32>, vector<16xi32>], vector<16xf32>,
      %parallel_loop3A_83 = arith.mulf %parallel_loop3A_69, %parallel_loop3A_82 : vector<16xf32>
      %parallel_loop3A_84 = tpu.vector_load_idx %arg6[%broadcast_in_dim3A_12, %parallel_loop3A_77] : memref<5x20xf32, #tpu.memory_space<vmem>>[vector<16xi32>, vector<16xi32>], vector<16xf32>,
      %parallel_loop3A_85 = arith.mulf %parallel_loop3A_71, %parallel_loop3A_84 : vector<16xf32>
      %parallel_loop3A_86 = tpu.vector_load_idx %arg6[%broadcast_in_dim3A_14, %parallel_loop3A_77] : memref<5x20xf32, #tpu.memory_space<vmem>>[vector<16xi32>, vector<16xi32>], vector<16xf32>,
      %parallel_loop3A_87 = arith.mulf %parallel_loop3A_73, %parallel_loop3A_86 : vector<16xf32>
      %parallel_loop3A_88 = arith.constant 5 : i32
      %parallel_loop3A_89 = arith.index_cast %parallel_loop3A_88 : i32 to index
      %parallel_loop3A_90 = arith.index_cast %parallel_loop3A_22 : i32 to index
      %parallel_loop3A_91 = tpu.vector_load %arg5[%parallel_loop3A_89, %parallel_loop3A_90] {strides = array<i32>} : memref<10x512xi32, #tpu.memory_space<vmem>>, vector<16xi32>,
      %parallel_loop3A_92 = tpu.vector_load_idx %arg6[%broadcast_in_dim3A_6, %parallel_loop3A_91] : memref<5x20xf32, #tpu.memory_space<vmem>>[vector<16xi32>, vector<16xi32>], vector<16xf32>,
      %parallel_loop3A_93 = tpu.vector_load_idx %arg6[%broadcast_in_dim3A_8, %parallel_loop3A_91] : memref<5x20xf32, #tpu.memory_space<vmem>>[vector<16xi32>, vector<16xi32>], vector<16xf32>,
      %parallel_loop3A_94 = tpu.vector_load_idx %arg6[%broadcast_in_dim3A_10, %parallel_loop3A_91] : memref<5x20xf32, #tpu.memory_space<vmem>>[vector<16xi32>, vector<16xi32>], vector<16xf32>,
      %parallel_loop3A_95 = tpu.vector_load_idx %arg6[%broadcast_in_dim3A_12, %parallel_loop3A_91] : memref<5x20xf32, #tpu.memory_space<vmem>>[vector<16xi32>, vector<16xi32>], vector<16xf32>,
      %parallel_loop3A_96 = tpu.vector_load_idx %arg6[%broadcast_in_dim3A_14, %parallel_loop3A_91] : memref<5x20xf32, #tpu.memory_space<vmem>>[vector<16xi32>, vector<16xi32>], vector<16xf32>,
      %parallel_loop3A_97 = arith.constant 6 : i32
      %parallel_loop3A_98 = arith.index_cast %parallel_loop3A_97 : i32 to index
      %parallel_loop3A_99 = arith.index_cast %parallel_loop3A_22 : i32 to index
      %parallel_loop3A_100 = tpu.vector_load %arg5[%parallel_loop3A_98, %parallel_loop3A_99] {strides = array<i32>} : memref<10x512xi32, #tpu.memory_space<vmem>>, vector<16xi32>,
      %parallel_loop3A_101 = tpu.vector_load_idx %arg6[%broadcast_in_dim3A_6, %parallel_loop3A_100] : memref<5x20xf32, #tpu.memory_space<vmem>>[vector<16xi32>, vector<16xi32>], vector<16xf32>,
      %parallel_loop3A_102 = arith.mulf %parallel_loop3A_92, %parallel_loop3A_101 : vector<16xf32>
      %parallel_loop3A_103 = tpu.vector_load_idx %arg6[%broadcast_in_dim3A_8, %parallel_loop3A_100] : memref<5x20xf32, #tpu.memory_space<vmem>>[vector<16xi32>, vector<16xi32>], vector<16xf32>,
      %parallel_loop3A_104 = arith.mulf %parallel_loop3A_93, %parallel_loop3A_103 : vector<16xf32>
      %parallel_loop3A_105 = tpu.vector_load_idx %arg6[%broadcast_in_dim3A_10, %parallel_loop3A_100] : memref<5x20xf32, #tpu.memory_space<vmem>>[vector<16xi32>, vector<16xi32>], vector<16xf32>,
      %parallel_loop3A_106 = arith.mulf %parallel_loop3A_94, %parallel_loop3A_105 : vector<16xf32>
      %parallel_loop3A_107 = tpu.vector_load_idx %arg6[%broadcast_in_dim3A_12, %parallel_loop3A_100] : memref<5x20xf32, #tpu.memory_space<vmem>>[vector<16xi32>, vector<16xi32>], vector<16xf32>,
      %parallel_loop3A_108 = arith.mulf %parallel_loop3A_95, %parallel_loop3A_107 : vector<16xf32>
      %parallel_loop3A_109 = tpu.vector_load_idx %arg6[%broadcast_in_dim3A_14, %parallel_loop3A_100] : memref<5x20xf32, #tpu.memory_space<vmem>>[vector<16xi32>, vector<16xi32>], vector<16xf32>,
      %parallel_loop3A_110 = arith.mulf %parallel_loop3A_96, %parallel_loop3A_109 : vector<16xf32>
      %parallel_loop3A_111 = arith.constant 7 : i32
      %parallel_loop3A_112 = arith.index_cast %parallel_loop3A_111 : i32 to index
      %parallel_loop3A_113 = arith.index_cast %parallel_loop3A_22 : i32 to index
      %parallel_loop3A_114 = tpu.vector_load %arg5[%parallel_loop3A_112, %parallel_loop3A_113] {strides = array<i32>} : memref<10x512xi32, #tpu.memory_space<vmem>>, vector<16xi32>,
      %parallel_loop3A_115 = tpu.vector_load_idx %arg6[%broadcast_in_dim3A_6, %parallel_loop3A_114] : memref<5x20xf32, #tpu.memory_space<vmem>>[vector<16xi32>, vector<16xi32>], vector<16xf32>,
      %parallel_loop3A_116 = arith.mulf %parallel_loop3A_102, %parallel_loop3A_115 : vector<16xf32>
      %parallel_loop3A_117 = tpu.vector_load_idx %arg6[%broadcast_in_dim3A_8, %parallel_loop3A_114] : memref<5x20xf32, #tpu.memory_space<vmem>>[vector<16xi32>, vector<16xi32>], vector<16xf32>,
      %parallel_loop3A_118 = arith.mulf %parallel_loop3A_104, %parallel_loop3A_117 : vector<16xf32>
      %parallel_loop3A_119 = tpu.vector_load_idx %arg6[%broadcast_in_dim3A_10, %parallel_loop3A_114] : memref<5x20xf32, #tpu.memory_space<vmem>>[vector<16xi32>, vector<16xi32>], vector<16xf32>,
      %parallel_loop3A_120 = arith.mulf %parallel_loop3A_106, %parallel_loop3A_119 : vector<16xf32>
      %parallel_loop3A_121 = tpu.vector_load_idx %arg6[%broadcast_in_dim3A_12, %parallel_loop3A_114] : memref<5x20xf32, #tpu.memory_space<vmem>>[vector<16xi32>, vector<16xi32>], vector<16xf32>,
      %parallel_loop3A_122 = arith.mulf %parallel_loop3A_108, %parallel_loop3A_121 : vector<16xf32>
      %parallel_loop3A_123 = tpu.vector_load_idx %arg6[%broadcast_in_dim3A_14, %parallel_loop3A_114] : memref<5x20xf32, #tpu.memory_space<vmem>>[vector<16xi32>, vector<16xi32>], vector<16xf32>,
      %parallel_loop3A_124 = arith.mulf %parallel_loop3A_110, %parallel_loop3A_123 : vector<16xf32>
      %parallel_loop3A_125 = arith.constant 8 : i32
      %parallel_loop3A_126 = arith.index_cast %parallel_loop3A_125 : i32 to index
      %parallel_loop3A_127 = arith.index_cast %parallel_loop3A_22 : i32 to index
      %parallel_loop3A_128 = tpu.vector_load %arg5[%parallel_loop3A_126, %parallel_loop3A_127] {strides = array<i32>} : memref<10x512xi32, #tpu.memory_space<vmem>>, vector<16xi32>,
      %parallel_loop3A_129 = tpu.vector_load_idx %arg6[%broadcast_in_dim3A_6, %parallel_loop3A_128] : memref<5x20xf32, #tpu.memory_space<vmem>>[vector<16xi32>, vector<16xi32>], vector<16xf32>,
      %parallel_loop3A_130 = arith.mulf %parallel_loop3A_116, %parallel_loop3A_129 : vector<16xf32>
      %parallel_loop3A_131 = tpu.vector_load_idx %arg6[%broadcast_in_dim3A_8, %parallel_loop3A_128] : memref<5x20xf32, #tpu.memory_space<vmem>>[vector<16xi32>, vector<16xi32>], vector<16xf32>,
      %parallel_loop3A_132 = arith.mulf %parallel_loop3A_118, %parallel_loop3A_131 : vector<16xf32>
      %parallel_loop3A_133 = tpu.vector_load_idx %arg6[%broadcast_in_dim3A_10, %parallel_loop3A_128] : memref<5x20xf32, #tpu.memory_space<vmem>>[vector<16xi32>, vector<16xi32>], vector<16xf32>,
      %parallel_loop3A_134 = arith.mulf %parallel_loop3A_120, %parallel_loop3A_133 : vector<16xf32>
      %parallel_loop3A_135 = tpu.vector_load_idx %arg6[%broadcast_in_dim3A_12, %parallel_loop3A_128] : memref<5x20xf32, #tpu.memory_space<vmem>>[vector<16xi32>, vector<16xi32>], vector<16xf32>,
      %parallel_loop3A_136 = arith.mulf %parallel_loop3A_122, %parallel_loop3A_135 : vector<16xf32>
      %parallel_loop3A_137 = tpu.vector_load_idx %arg6[%broadcast_in_dim3A_14, %parallel_loop3A_128] : memref<5x20xf32, #tpu.memory_space<vmem>>[vector<16xi32>, vector<16xi32>], vector<16xf32>,
      %parallel_loop3A_138 = arith.mulf %parallel_loop3A_124, %parallel_loop3A_137 : vector<16xf32>
      %parallel_loop3A_139 = arith.constant 9 : i32
      %parallel_loop3A_140 = arith.index_cast %parallel_loop3A_139 : i32 to index
      %parallel_loop3A_141 = arith.index_cast %parallel_loop3A_22 : i32 to index
      %parallel_loop3A_142 = tpu.vector_load %arg5[%parallel_loop3A_140, %parallel_loop3A_141] {strides = array<i32>} : memref<10x512xi32, #tpu.memory_space<vmem>>, vector<16xi32>,
      %parallel_loop3A_143 = tpu.vector_load_idx %arg6[%broadcast_in_dim3A_6, %parallel_loop3A_142] : memref<5x20xf32, #tpu.memory_space<vmem>>[vector<16xi32>, vector<16xi32>], vector<16xf32>,
      %parallel_loop3A_144 = arith.mulf %parallel_loop3A_130, %parallel_loop3A_143 : vector<16xf32>
      %parallel_loop3A_145 = tpu.vector_load_idx %arg6[%broadcast_in_dim3A_8, %parallel_loop3A_142] : memref<5x20xf32, #tpu.memory_space<vmem>>[vector<16xi32>, vector<16xi32>], vector<16xf32>,
      %parallel_loop3A_146 = arith.mulf %parallel_loop3A_132, %parallel_loop3A_145 : vector<16xf32>
      %parallel_loop3A_147 = tpu.vector_load_idx %arg6[%broadcast_in_dim3A_10, %parallel_loop3A_142] : memref<5x20xf32, #tpu.memory_space<vmem>>[vector<16xi32>, vector<16xi32>], vector<16xf32>,
      %parallel_loop3A_148 = arith.mulf %parallel_loop3A_134, %parallel_loop3A_147 : vector<16xf32>
      %parallel_loop3A_149 = tpu.vector_load_idx %arg6[%broadcast_in_dim3A_12, %parallel_loop3A_142] : memref<5x20xf32, #tpu.memory_space<vmem>>[vector<16xi32>, vector<16xi32>], vector<16xf32>,
      %parallel_loop3A_150 = arith.mulf %parallel_loop3A_136, %parallel_loop3A_149 : vector<16xf32>
      %parallel_loop3A_151 = tpu.vector_load_idx %arg6[%broadcast_in_dim3A_14, %parallel_loop3A_142] : memref<5x20xf32, #tpu.memory_space<vmem>>[vector<16xi32>, vector<16xi32>], vector<16xf32>,
      %parallel_loop3A_152 = arith.mulf %parallel_loop3A_138, %parallel_loop3A_151 : vector<16xf32>
      %parallel_loop3A_153 = arith.addf %parallel_loop3A_79, %parallel_loop3A_144 : vector<16xf32>
      %parallel_loop3A_154 = arith.constant 5.000000e-01 : f32
      %parallel_loop3A_155 = vector.broadcast %parallel_loop3A_154 : f32 to vector<16xf32>
      %parallel_loop3A_156 = arith.mulf %parallel_loop3A_153, %parallel_loop3A_155 : vector<16xf32>
      %parallel_loop3A_157 = arith.constant 0 : i32
      %parallel_loop3A_158 = arith.index_cast %parallel_loop3A_157 : i32 to index
      %parallel_loop3A_159 = arith.index_cast %parallel_loop3A_22 : i32 to index
      %parallel_loop3A_160 = tpu.vector_load %arg7[%parallel_loop3A_158, %parallel_loop3A_159] {strides = array<i32>} : memref<5x512xf32, #tpu.memory_space<vmem>>, vector<16xf32>,
      tpu.vector_store %arg7[%parallel_loop3A_158, %parallel_loop3A_159], %parallel_loop3A_156 {strides = array<i32>} : memref<5x512xf32, #tpu.memory_space<vmem>>, vector<16xf32>,
      %parallel_loop3A_161 = arith.addf %parallel_loop3A_81, %parallel_loop3A_146 : vector<16xf32>
      %parallel_loop3A_162 = arith.constant 5.000000e-01 : f32
      %parallel_loop3A_163 = vector.broadcast %parallel_loop3A_162 : f32 to vector<16xf32>
      %parallel_loop3A_164 = arith.mulf %parallel_loop3A_161, %parallel_loop3A_163 : vector<16xf32>
      %parallel_loop3A_165 = arith.constant 1 : i32
      %parallel_loop3A_166 = arith.index_cast %parallel_loop3A_165 : i32 to index
      %parallel_loop3A_167 = arith.index_cast %parallel_loop3A_22 : i32 to index
      %parallel_loop3A_168 = tpu.vector_load %arg7[%parallel_loop3A_166, %parallel_loop3A_167] {strides = array<i32>} : memref<5x512xf32, #tpu.memory_space<vmem>>, vector<16xf32>,
      tpu.vector_store %arg7[%parallel_loop3A_166, %parallel_loop3A_167], %parallel_loop3A_164 {strides = array<i32>} : memref<5x512xf32, #tpu.memory_space<vmem>>, vector<16xf32>,
      %parallel_loop3A_169 = arith.addf %parallel_loop3A_83, %parallel_loop3A_148 : vector<16xf32>
      %parallel_loop3A_170 = arith.constant 5.000000e-01 : f32
      %parallel_loop3A_171 = vector.broadcast %parallel_loop3A_170 : f32 to vector<16xf32>
      %parallel_loop3A_172 = arith.mulf %parallel_loop3A_169, %parallel_loop3A_171 : vector<16xf32>
      %parallel_loop3A_173 = arith.constant 2 : i32
      %parallel_loop3A_174 = arith.index_cast %parallel_loop3A_173 : i32 to index
      %parallel_loop3A_175 = arith.index_cast %parallel_loop3A_22 : i32 to index
      %parallel_loop3A_176 = tpu.vector_load %arg7[%parallel_loop3A_174, %parallel_loop3A_175] {strides = array<i32>} : memref<5x512xf32, #tpu.memory_space<vmem>>, vector<16xf32>,
      tpu.vector_store %arg7[%parallel_loop3A_174, %parallel_loop3A_175], %parallel_loop3A_172 {strides = array<i32>} : memref<5x512xf32, #tpu.memory_space<vmem>>, vector<16xf32>,
      %parallel_loop3A_177 = arith.addf %parallel_loop3A_85, %parallel_loop3A_150 : vector<16xf32>
      %parallel_loop3A_178 = arith.constant 5.000000e-01 : f32
      %parallel_loop3A_179 = vector.broadcast %parallel_loop3A_178 : f32 to vector<16xf32>
      %parallel_loop3A_180 = arith.mulf %parallel_loop3A_177, %parallel_loop3A_179 : vector<16xf32>
      %parallel_loop3A_181 = arith.constant 3 : i32
      %parallel_loop3A_182 = arith.index_cast %parallel_loop3A_181 : i32 to index
      %parallel_loop3A_183 = arith.index_cast %parallel_loop3A_22 : i32 to index
      %parallel_loop3A_184 = tpu.vector_load %arg7[%parallel_loop3A_182, %parallel_loop3A_183] {strides = array<i32>} : memref<5x512xf32, #tpu.memory_space<vmem>>, vector<16xf32>,
      tpu.vector_store %arg7[%parallel_loop3A_182, %parallel_loop3A_183], %parallel_loop3A_180 {strides = array<i32>} : memref<5x512xf32, #tpu.memory_space<vmem>>, vector<16xf32>,
      %parallel_loop3A_185 = arith.addf %parallel_loop3A_87, %parallel_loop3A_152 : vector<16xf32>
      %parallel_loop3A_186 = arith.constant 5.000000e-01 : f32
      %parallel_loop3A_187 = vector.broadcast %parallel_loop3A_186 : f32 to vector<16xf32>
      %parallel_loop3A_188 = arith.mulf %parallel_loop3A_185, %parallel_loop3A_187 : vector<16xf32>
      %parallel_loop3A_189 = arith.constant 4 : i32
      %parallel_loop3A_190 = arith.index_cast %parallel_loop3A_189 : i32 to index
      %parallel_loop3A_191 = arith.index_cast %parallel_loop3A_22 : i32 to index
      %parallel_loop3A_192 = tpu.vector_load %arg7[%parallel_loop3A_190, %parallel_loop3A_191] {strides = array<i32>} : memref<5x512xf32, #tpu.memory_space<vmem>>, vector<16xf32>,
      tpu.vector_store %arg7[%parallel_loop3A_190, %parallel_loop3A_191], %parallel_loop3A_188 {strides = array<i32>} : memref<5x512xf32, #tpu.memory_space<vmem>>, vector<16xf32>,
    } {sc.loop_unroll_factor = 1 : i64, sc.parallel_access}
    "tpu.region"() ({
      %run_scoped3A = tpu.sem_alloc : memref<!tpu.dma_semaphore, #tpu.memory_space<semaphore_mem>>
      %dma_start3A_20 = arith.constant 0 : i32
      %dma_start3A_21 = tpu.memref_slice %arg4[%dma_start3A_20, %mul3A_2] : memref<5x16384xf32, #tpu.memory_space<hbm>> -> memref<5x512xf32, #tpu.memory_space<hbm>>
      %dma_start3A_22 = arith.constant 0 : i32
      %dma_start3A_23 = tpu.memref_slice %arg4[%dma_start3A_22, %mul3A_2] : memref<5x16384xf32, #tpu.memory_space<hbm>> -> memref<5x512xf32, #tpu.memory_space<hbm>>
      tpu.enqueue_dma source(%arg7 : memref<5x512xf32, #tpu.memory_space<vmem>>) target(%dma_start3A_23 : memref<5x512xf32, #tpu.memory_space<hbm>>) target_semaphore(%run_scoped3A : memref<!tpu.dma_semaphore, #tpu.memory_space<semaphore_mem>>)
      %dma_wait3A_24 = arith.constant 0 : i32
      %dma_wait3A_25 = tpu.memref_slice %arg4[%dma_wait3A_24, %mul3A_2] : memref<5x16384xf32, #tpu.memory_space<hbm>> -> memref<5x512xf32, #tpu.memory_space<hbm>>
      %dma_wait3A_26 = arith.constant 0 : i32
      %dma_wait3A_27 = tpu.memref_slice %arg4[%dma_wait3A_26, %mul3A_2] : memref<5x16384xf32, #tpu.memory_space<hbm>> -> memref<5x512xf32, #tpu.memory_space<hbm>>
      tpu.wait_dma2 semaphore(%run_scoped3A : memref<!tpu.dma_semaphore, #tpu.memory_space<semaphore_mem>>) src(%arg7 : memref<5x512xf32, #tpu.memory_space<vmem>>) dst(%dma_wait3A_27 : memref<5x512xf32, #tpu.memory_space<hbm>>)
      tpu.yield
    }) : () -> ()
    return
  }
}

</mosaic_0001>

<sc_bundles>
// kernel: kernel.3.cloned.1.call-start
scs
__scs_entry_jumppad:
0x0: {  	(pc) =	sbr.rel $0x88, $3  }
0x1: {  	(tag) =	ssettag $0x0;
	lr =	simm.s32 $0x1  }
0x2: {  	[smem:$0x3F9F] =	sst lr;
	_ =	strace $0xD0000000  }
0x3: {  	_ = 	snop  }
0x4: {  	_ = 	snop  }
0x5: {  	_ = 	snop  }
0x6: {  	_ = 	snop  }
0x7: {  	_ = 	snop  }
__scs_overlays_trampoline_lowered:
0x8: {  	[smem:$0x3FAE] =	sst s0  }
0x9: {  	[smem:$0x3FAF] =	sst s1  }
0xa: {  	[smem:$0x3FB0] =	sst s2  }
0xb: {  	[smem:$0x3FB1] =	sst s3  }
0xc: {  	[smem:$0x3FB2] =	sst s4  }
0xd: {  	[smem:$0x3FB3] =	sst s5  }
0xe: {  	[smem:$0x3FB4] =	sst s6  }
0xf: {  	[smem:$0x3FB5] =	sst s7  }
0x10: {  	[smem:$0x3FB6] =	sst s8  }
0x11: {  	[smem:$0x3FB7] =	sst s9;
	s0 =	simm.s32 @!p0 $0x0  }
0x12: {  	s1 =	sld [smem:$0x3F9D];
	s0 =	simm.s32 @p0 $0x1  }
0x13: {  	[smem:$0x3FB8] =	sst s0;
	s0 =	simm.s32 @!p1 $0x0  }
0x14: {  	s2 =	sld [smem:$0x3F9C];
	s0 =	simm.s32 @p1 $0x1  }
0x15: {  	[smem:$0x3FB9] =	sst s0;
	s0 =	simm.s32 @!p2 $0x0  }
0x16: {  	s3 =	sld [smem:$0x3FDB];
	s0 =	simm.s32 @p2 $0x1  }
0x17: {  	s4 =	simm.s32 $0x1BF5;
	[smem:$0x3FBB] =	sst s0  }
0x18: {  	s0 =	sld [smem:$0x3F9E];
	_ =	swait.ge [sflag:s4], $0x0  }
0x19: {  	s7 =	sld [smem:$0x3F9F]  }
0x1a: {  	s8 =	sadd.s32 $0xFFFFE003, lr  }
0x1b: {  	s9 =	sadd.s32 $0xFFFFFEF7, lr;
	s5 =	simm.s32 $0xFFFFFFFF;
	p2 =	slt.u32 s8, $0xFFFFF086  }
0x1c: {  	p1 =	slt.u32 s9, $0xF7A;
	s5 =	simm.s32 @!p2 $0x0  }
0x1d: {  	s5 =	simm.s32 @p1 $0x1;
	p0 =	seq.s32 s7, s2  }
0x1e: {  	s7 =	smul.u32 @!p0 $0xF7A, s2;
	p2 =	seq.s32 @!p0 s5, $0x0  }
0x1f: {  	s9 =	smul.u32 $0xF7A, s1;
	s8 =	simm.s32 @!p0 $0x1BF5;
	p2 =	por !p2, p0  }
0x20: {  	[sflag:s8] =	ssyncset.s32 @!p0 $0xFFFFF086;
	s6 =	sadd.s32 @!p0 s3, s7;
	s7 =	simm.s32 @!p0 $0x108  }
0x21: {  	s3 =	sadd.s32 s3, s9;
	s6 =	sadd.s32 @!p0 $0x88, s6;
	s7 =	simm.s32 @p2 $0x1082  }
0x22: {  	[simem:s7], [sflag:s8] =	dma.local @!p0 [hbm:s6], $0xF7A  }
0x23: {  	s9 =	sor.u32 $0xD0000000, s2;
	s6 =	simm.s32 $0x108;
	_ =	swait.ge @!p0 [sflag:s8], $0x0  }
0x24: {  	s3 =	sadd.s32 $0x88, s3;
	s6 =	simm.s32 @!p1 $0x1082;
	[sflag:s4] =	ssyncset.s32 $0xFFFFF086  }
0x25: {  	[simem:s6], [sflag:s4] =	dma.local [hbm:s3], $0xF7A  }
0x26: {  	[smem:$0x3F9F] =	sst s1;
	(tag) =	ssettag s2;
	_ =	strace s9  }
0x27: {  	s1 =	sld [smem:$0x3FAF]  }
0x28: {  	s2 =	sld [smem:$0x3FB0]  }
0x29: {  	s4 =	sld [smem:$0x3FB2]  }
0x2a: {  	p0 =	seq.s32 s5, $0x0;
	s5 =	sld [smem:$0x3FB3]  }
0x2b: {  	s6 =	sld [smem:$0x3FB4]  }
0x2c: {  	s7 =	sld [smem:$0x3FB5]  }
0x2d: {  	s3 =	simm.s32 $0x108;
	s8 =	sld [smem:$0x3FB6]  }
0x2e: {  	s3 =	simm.s32 @!p0 $0x1082;
	s9 =	sld [smem:$0x3FB7]  }
0x2f: {  	lr =	sadd.s32 s0, s3;
	s0 =	sld [smem:$0x3FAE]  }
0x30: {  	s3 =	sld [smem:$0x3FB1]  }
0x31: {  	[smem:$0x3FBA] =	sst s10  }
0x32: {  	s10 =	sld [smem:$0x3FB8];
	_ =	sdelay $0x3  }
0x33: {  	p0 =	seq.s32 s10, $0x1;
	s10 =	sld [smem:$0x3FBA];
	_ =	sdelay $0x3  }
0x34: {  	[smem:$0x3FBA] =	sst s10  }
0x35: {  	s10 =	sld [smem:$0x3FB9];
	_ =	sdelay $0x3  }
0x36: {  	p1 =	seq.s32 s10, $0x1;
	s10 =	sld [smem:$0x3FBA];
	_ =	sdelay $0x3  }
0x37: {  	[smem:$0x3FBA] =	sst s10  }
0x38: {  	s10 =	sld [smem:$0x3FBB]  }
0x39: {  	_ = 	snop;
	(pc) =	sbr.ind lr, $3  }
0x3a: {  	_ = 	snop  }
0x3b: {  	_ = 	snop  }
0x3c: {  	p2 =	seq.s32 s10, $0x1;
	s10 =	sld [smem:$0x3FBA]  }
0x3d: {  	_ =	shalt  }
0x3e: {  	_ =	shalt  }
0x3f: {  	_ =	shalt  }
0x40: {  	_ =	shalt  }
0x41: {  	_ =	shalt  }
0x42: {  	_ =	shalt  }
0x43: {  	_ =	shalt  }
0x44: {  	_ =	shalt  }
0x45: {  	_ =	shalt  }
0x46: {  	_ =	shalt  }
0x47: {  	_ =	shalt  }
0x48: {  	_ =	shalt  }
0x49: {  	_ =	shalt  }
0x4a: {  	_ =	shalt  }
0x4b: {  	_ =	shalt  }
0x4c: {  	_ =	shalt  }
0x4d: {  	_ =	shalt  }
0x4e: {  	_ =	shalt  }
0x4f: {  	_ =	shalt  }
0x50: {  	_ =	shalt  }
0x51: {  	_ =	shalt  }
0x52: {  	_ =	shalt  }
0x53: {  	_ =	shalt  }
0x54: {  	_ =	shalt  }
0x55: {  	_ =	shalt  }
0x56: {  	_ =	shalt  }
0x57: {  	_ =	shalt  }
0x58: {  	_ =	shalt  }
0x59: {  	_ =	shalt  }
0x5a: {  	_ =	shalt  }
0x5b: {  	_ =	shalt  }
0x5c: {  	_ =	shalt  }
0x5d: {  	_ =	shalt  }
0x5e: {  	_ =	shalt  }
0x5f: {  	_ =	shalt  }
0x60: {  	_ =	shalt  }
0x61: {  	_ =	shalt  }
0x62: {  	_ =	shalt  }
0x63: {  	_ =	shalt  }
0x64: {  	_ =	shalt  }
0x65: {  	_ =	shalt  }
0x66: {  	_ =	shalt  }
0x67: {  	_ =	shalt  }
0x68: {  	_ =	shalt  }
0x69: {  	_ =	shalt  }
0x6a: {  	_ =	shalt  }
0x6b: {  	_ =	shalt  }
0x6c: {  	_ =	shalt  }
0x6d: {  	_ =	shalt  }
0x6e: {  	_ =	shalt  }
0x6f: {  	_ =	shalt  }
0x70: {  	_ =	shalt  }
0x71: {  	_ =	shalt  }
0x72: {  	_ =	shalt  }
0x73: {  	_ =	shalt  }
0x74: {  	_ =	shalt  }
0x75: {  	_ =	shalt  }
0x76: {  	_ =	shalt  }
0x77: {  	_ =	shalt  }
0x78: {  	_ =	shalt  }
0x79: {  	_ =	shalt  }
0x7a: {  	_ =	shalt  }
0x7b: {  	_ =	shalt  }
0x7c: {  	_ =	shalt  }
0x7d: {  	_ =	shalt  }
0x7e: {  	_ =	shalt  }
0x7f: {  	_ =	shalt  }
0x80: {  	_ =	shalt  }
0x81: {  	_ =	shalt  }
0x82: {  	_ =	shalt  }
0x83: {  	_ =	shalt  }
0x84: {  	_ =	shalt  }
0x85: {  	_ =	shalt  }
0x86: {  	_ =	shalt  }
0x87: {  	_ =	shalt  }
.Lfunc_end0:
.L_simem_size_0:
called_computation_lowered:
.L_overlay_start_0:
0x88: {  	s2 =	sld [smem:$0x3FD9]  }
0x89: {  	s3 =	sld [smem:$0x3FFE];
	_ =	sdelay $0x1  }
0x8a: {  	s1 =	srdreg.scid  }
0x8b: {  	s0 =	sand.u32 $0x1, s1  }
0x8c: {  	s18 =	sshll.u32 s0, $0xA;
	s2 =	sadd.s32 s3, s2  }
0x8d: {  	s2 =	sadd.s32 s2, s18  }
0x8e: {  	[smem:$0x3FC6] =	sst s2  }
0x8f: {  	_ = 	snop  }
0x90: {  	s2 =	sld [smem:$0x3FC9]  }
0x91: {  	s19 =	sld [smem:$0x3FC8]  }
0x92: {  	s4 =	sld [smem:$0x3FD0];
	(tm) =	ssettm $0x1  }
0x93: {  	s5 =	sld [smem:$0x3FFB];
	_ =	sdelay $0x3  }
0x94: {  	_ =	strace s5  }
0x95: {  	s5 =	sld [smem:$0x3FFC];
	_ =	sdelay $0x3  }
0x96: {  	_ =	strace s5  }
0x97: {  	s5 =	sld [smem:$0x3FFD];
	_ =	sdelay $0x3  }
0x98: {  	_ =	strace s5  }
0x99: {  	_ =	strace $0x8FFFFFFF  }
0x9a: {  	s20 =	sld [smem:$0x3FDB];
	_ =	sdelay $0x1  }
0x9b: {  	s6 =	simm.s32 $_scs_section_size  }
0x9c: {  	s7 =	simm.s32 $_size__tile_overlayer_lowered;
	s8 =	simm.s32 $_tile_overlayer_lowered  }
0x9d: {  	s23 =	simm.s32 $0x1BFF;
	s22 =	sshll.u32 s8, $0x1;
	s5 =	sadd.s32 s6, s20  }
0x9e: {  	s9 =	simm.s32 $0x0;
	s21 =	sshll.u32 s7, $0x1;
	s7 =	sadd.s32 s22, s5  }
0x9f: {  	[timem:s9], [sflag:s23] =	dma.local [hbm:s7], s21  }
0xa0: {  	_ =	swait.ge [sflag:s23], s21  }
0xa1: {  	s6 =	ssub.s32 $0x0, s21;
	[sflag:s23] =	ssyncset.done $0x0  }
0xa2: {  	[sflag:s23] =	ssyncadd.s32 s6;
	_ =	sdelay $0x1  }
0xa3: {  	s24 =	simm.s32 $0x1B8B  }
0xa4: {  	_ =	swait.ge [sflag:s24], $0x1  }
0xa5: {  	[sflag:s24] =	ssyncset.done $0x0  }
0xa6: {  	s25 =	simm.s32 $0x1B8E;
	[sflag:s24] =	ssyncadd.s32 $0xFFFFFFFF  }
0xa7: {  	s26 =	simm.s32 $execute0_lowered;
	[smem:$0x3FD2] =	sst s25  }
0xa8: {  	s6 =	sshll.u32 s26, $0x1;
	_ =	strace $0x80000046;
	[dreg:$0x1] =	wrdreg $0xFFFFFFFF  }
0xa9: {  	s28 =	simm.s32 $_size_execute0_lowered;
	s5 =	sadd.s32 s5, s6;
	[dreg:$0x0] =	wrdreg $0x0  }
0xaa: {  	s6 =	sshll.u32 s28, $0x1;
	[dreg:$0x2] =	wrdreg s5  }
0xab: {  	[dreg:$0x3] =	wrdreg s6  }
0xac: {  	[dreg:$0x4] =	wrdreg $0xC0  }
0xad: {  	_ =	task [dreg:s9], $0x5FFFF  }
0xae: {  	[dreg:$0x1] =	wrdreg $0xFFFFFFFF  }
0xaf: {  	[dreg:$0x0] =	wrdreg $0x60  }
0xb0: {  	[dreg:$0x2] =	wrdreg s2  }
0xb1: {  	[dreg:$0x3] =	wrdreg s19  }
0xb2: {  	[dreg:$0x4] =	wrdreg s4  }
0xb3: {  	[dreg:$0x5] =	wrdreg $0x9  }
0xb4: {  	_ =	task.clear_ibuf [dreg:s9], $0x6FFFF;
	_ =	strace $0x90000046  }
0xb5: {  	s29 =	simm.s32 $0x9;
	_ =	strace $0x80000048  }
0xb6: {  	_ =	swait.ge [sflag:s29], $0x1  }
0xb7: {  	[sflag:s29] =	ssyncadd.s32 $0xFFFFFFFF  }
0xb8: {  	_ =	strace $0x90000048  }
0xb9: {  	_ =	sfence  }
0xba: {  	s30 =	sld [smem:$0x0];
	_ =	sdelay $0x2  }
0xbb: {  	s31 =	sshll.u32 s1, $0xD;
	s1 =	sshrl.u32 s1, $0x2  }
0xbc: {  	s3 =	sand.u32 $0x4000, s31;
	s1 =	sadd.s32 s1, s30  }
0xbd: {  	s0 =	sor.u32 s3, s0;
	s1 =	sshll.u32 s1, $0x11  }
0xbe: {  	s0 =	sor.u32 s1, s0  }
0xbf: {  	s0 =	sadd.s32 $0x8F2B, s0  }
0xc0: {  	[sflag:s0] =	ssyncadd.remote.s32 $0x1  }
0xc1: {  	_ =	sfence.sel $0xFFFF  }
0xc2: {  	[dreg:$0x0] =	wrdreg $0xFFFFFFFF;
	(pc) =	sbr.abs _section_cstart, $3  }
0xc3: {  	[dreg:$0x1] =	wrdreg $0xFFFFFFFF  }
0xc4: {  	_ =	task.clear_ibuf [dreg:s9], $0x2FFFF;
	_ =	strace $0x9FFFFFFF  }
0xc5: {  	(tm) =	ssettm $0x7FFFFFFF  }
tec
execute0_lowered:
.L_overlay_start_1:
0x0: {  	(tag) =	ssettag $0x1  }
0x1: {  	s4 =	rddreg [dreg:$0x0]  }
0x2: {  	s1 =	rddreg [dreg:$0x1]  }
0x3: {  	s5 =	rddreg [dreg:$0x2]  }
0x4: {  	s0 =	rddreg [dreg:$0x3];
	s3 =	simm.s32 $0x0;
	s6 =	srdreg.scid  }
0x5: {  	s2 =	stileid.u32;
	s10 =	simm.s32 $0x1;
	s11 =	simm.s32 $0x2  }
0x6: {  	s12 =	simm.s32 $0x2400;
	s13 =	simm.s32 $0x3;
	s14 =	simm.s32 $0x0  }
0x7: {  	[smem:$0x7FF] =	sst s3;
	s6 =	sand.u32 $0x1, s6;
	s8 =	sshll.u32 s2, $0xA  }
0x8: {  	s7 =	ssub.s32 $0x2, s6;
	s6 =	sshll.u32 s6, $0x9;
	_ =	strace $0x80000047  }
0x9: {  	s9 =	sshrl.u32 s7, $0x1;
	s6 =	sor.u32 s6, s8;
	s8 =	simm.s32 $0x1000  }
0xa: {  	s7 =	ssub.s32 s7, s9;
	s4 =	sadd.s32 s4, s6;
	s5 =	sadd.s32 s5, s6  }
0xb: {  	s9 =	simm.s32 $0x20000;
	s6 =	smax.u32 s7, $0x1;
	s7 =	simm.s32 $0x2000  }
.LBB2_1:
0xc: {  	[tilespmem:s7], [sflag:$0x1] =	stream.linear.gather [hbm4b:s1+s3], $0x280, $0x38;
	[tilespmem:$0x3400] =	vst v63  }
0xd: {  	_ = 	snop  }
0xe: {  	[tilespmem:s3], [sflag:$0x2] =	stream.strided.gather [hbm4b:s4+s8], $0x2000, s9, s8, $0x38;
	[tilespmem:$0x3400] =	vst v63  }
0xf: {  	_ =	swait.ge [sflag:s10], $0x280  }
0x10: {  	[sflag:s10] =	ssyncset.done $0x0  }
0x11: {  	[sflag:s10] =	ssyncadd.s32 $0xFFFFFD80  }
0x12: {  	_ =	swait.ge [sflag:s11], $0x2000  }
0x13: {  	s15 =	sand.u32 $0x70, s3;
	s16 =	sand.u32 $0xC00, s3;
	[sflag:s11] =	ssyncset.done $0x0  }
0x14: {  	s15 =	sor.u32 s15, s16;
	[sflag:s11] =	ssyncadd.s32 $0xFFFFE000  }
0x15: {  	v4 =	vld [tilespmem:s15+$0x200]  }
0x16: {  	v0 =	vld [tilespmem:s15+$0x1080]  }
0x17: {  	s17 =	sor.u32 s3, s3;
	v1 =	vld [tilespmem:s15+$0x1000]  }
0x18: {  	s17 =	sor.u32 $0x380, s17;
	v8 =	vld [tilespmem:s15+$0x100]  }
0x19: {  	v11 =	vld [tilespmem:s17+$0x0]  }
0x1a: {  	v17 =	vld [tilespmem:s15+$0x0]  }
0x1b: {  	v25 =	vld [tilespmem:s15+$0x80]  }
0x1c: {  	s16 =	sor.u32 s16, s3;
	v28 =	vld [tilespmem:s15+$0x280]  }
0x1d: {  	s16 =	sor.u32 $0x180, s16;
	v30 =	vld [tilespmem:s15+$0x300]  }
0x1e: {  	v12 =	vld [tilespmem:s16+$0x0]  }
0x1f: {  	v3 =	vld.idx.msk [tilespmem:v4+s7+$0x0], $0xffff  }
0x20: {  	v2 =	vld.idx.msk [tilespmem:v0+s7+$0x0], $0xffff  }
0x21: {  	v10 =	vld.idx.msk [tilespmem:v1+s7+$0x0], $0xffff  }
0x22: {  	v15 =	vld.idx.msk [tilespmem:v8+s7+$0x0], $0xffff  }
0x23: {  	v14 =	vld.idx.msk [tilespmem:v11+s7+$0x0], $0xffff  }
0x24: {  	v5 =	vadd.s32 $0x80, v4;
	v20 =	vld.idx.msk [tilespmem:v17+s7+$0x0], $0xffff  }
0x25: {  	v7 =	vadd.s32 $0x100, v4;
	v22 =	vld.idx.msk [tilespmem:v25+s7+$0x0], $0xffff  }
0x26: {  	v9 =	vadd.s32 $0x180, v4;
	v21 =	vld.idx.msk [tilespmem:v28+s7+$0x0], $0xffff  }
0x27: {  	v16 =	vadd.s32 $0x80, v1;
	v23 =	vld.idx.msk [tilespmem:v30+s7+$0x0], $0xffff  }
0x28: {  	v18 =	vadd.s32 $0x100, v1;
	v13 =	vld.idx.msk [tilespmem:v12+s7+$0x0], $0xffff  }
0x29: {  	v19 =	vadd.s32 $0x80, v8;
	v6 =	vld.idx.msk [tilespmem:v5+s7+$0x0], $0xffff  }
0x2a: {  	v24 =	vadd.s32 $0x100, v8;
	v7 =	vld.idx.msk [tilespmem:v7+s7+$0x0], $0xffff  }
0x2b: {  	v26 =	vadd.s32 $0x180, v8;
	v5 =	vld.idx.msk [tilespmem:v9+s7+$0x0], $0xffff  }
0x2c: {  	v27 =	vadd.s32 $0x200, v8;
	v9 =	vld.idx.msk [tilespmem:v16+s7+$0x0], $0xffff  }
0x2d: {  	v29 =	vadd.s32 $0x80, v17;
	v8 =	vld.idx.msk [tilespmem:v18+s7+$0x0], $0xffff  }
0x2e: {  	v31 =	vadd.s32 $0x100, v17;
	v19 =	vld.idx.msk [tilespmem:v19+s7+$0x0], $0xffff  }
0x2f: {  	v32 =	vadd.s32 $0x180, v17;
	v16 =	vld.idx.msk [tilespmem:v24+s7+$0x0], $0xffff  }
0x30: {  	v33 =	vadd.s32 $0x200, v17;
	v18 =	vld.idx.msk [tilespmem:v26+s7+$0x0], $0xffff  }
0x31: {  	v34 =	vadd.s32 $0x80, v25;
	v17 =	vld.idx.msk [tilespmem:v27+s7+$0x0], $0xffff  }
0x32: {  	v62 =	vadd.s32 $0x80, v28;
	v27 =	vld.idx.msk [tilespmem:v29+s7+$0x0], $0xffff  }
0x33: {  	v63 =	vadd.s32 $0x100, v28;
	v24 =	vld.idx.msk [tilespmem:v31+s7+$0x0], $0xffff  }
0x34: {  	v36 =	vadd.s32 $0x200, v25;
	v37 =	vadd.s32 $0x180, v28;
	v26 =	vld.idx.msk [tilespmem:v32+s7+$0x0], $0xffff  }
0x35: {  	v41 =	vadd.s32 $0x200, v28;
	v29 =	vadd.s32 $0x100, v25;
	v31 =	vadd.s32 $0x180, v25;
	v25 =	vld.idx.msk [tilespmem:v33+s7+$0x0], $0xffff  }
0x36: {  	v4 =	vadd.s32 $0x200, v4;
	v35 =	vld.idx.msk [tilespmem:v34+s7+$0x0], $0xffff  }
0x37: {  	v33 =	vld.idx.msk [tilespmem:v62+s7+$0x0], $0xffff  }
0x38: {  	v28 =	vld.idx.msk [tilespmem:v63+s7+$0x0], $0xffff  }
0x39: {  	v40 =	vadd.s32 $0x80, v30;
	v34 =	vld.idx.msk [tilespmem:v37+s7+$0x0], $0xffff  }
0x3a: {  	v39 =	vadd.s32 $0x100, v30;
	v38 =	vadd.s32 $0x180, v30;
	v37 =	vadd.s32 $0x200, v30;
	v30 =	vld.idx.msk [tilespmem:v41+s7+$0x0], $0xffff  }
0x3b: {  	v4 =	vld.idx.msk [tilespmem:v4+s7+$0x0], $0xffff  }
0x3c: {  	v29 =	vld.idx.msk [tilespmem:v29+s7+$0x0], $0xffff  }
0x3d: {  	v32 =	vld.idx.msk [tilespmem:v31+s7+$0x0], $0xffff  }
0x3e: {  	s18 =	simm.s32 $0x0;
	s17 =	simm.s32 $0x10;
	v31 =	vld.idx.msk [tilespmem:v36+s7+$0x0], $0xffff;
	v36 =	vadd.s32 $0x80, v11  }
.LBB2_2:
0x3f: {  	p0 =	sne.s32 s17, $0x1F0;
	v40 =	vld.idx.msk [tilespmem:v40+s7+$0x0], $0xffff;
	v41 =	vadd.s32 $0x100, v11  }
0x40: {  	v42 =	vadd.s32 $0x180, v11;
	v39 =	vld.idx.msk [tilespmem:v39+s7+$0x0], $0xffff  }
0x41: {  	v20 =	vmul.f32 v22, v20;
	v11 =	vadd.s32 $0x200, v11;
	v22 =	vld.idx.msk [tilespmem:v38+s7+$0x0], $0xffff  }
0x42: {  	v21 =	vmul.f32 v23, v21;
	v38 =	vadd.s32 $0x80, v12;
	v23 =	vld.idx.msk [tilespmem:v37+s7+$0x0], $0xffff  }
0x43: {  	v15 =	vmul.f32 v15, v20;
	v20 =	vadd.s32 $0x100, v12;
	v36 =	vld.idx.msk [tilespmem:v36+s7+$0x0], $0xffff  }
0x44: {  	v27 =	vmul.f32 v35, v27;
	v35 =	vadd.s32 $0x180, v12;
	v14 =	vmul.f32 v14, v21;
	v21 =	vld.idx.msk [tilespmem:v41+s7+$0x0], $0xffff  }
0x45: {  	v24 =	vmul.f32 v29, v24;
	v26 =	vmul.f32 v32, v26;
	v12 =	vadd.s32 $0x200, v12;
	v29 =	vld.idx.msk [tilespmem:v42+s7+$0x0], $0xffff  }
0x46: {  	v25 =	vmul.f32 v31, v25;
	v32 =	vadd.s32 $0x180, v1;
	v31 =	vmul.f32 v40, v33;
	v11 =	vld.idx.msk [tilespmem:v11+s7+$0x0], $0xffff  }
0x47: {  	v1 =	vadd.s32 $0x200, v1;
	v28 =	vmul.f32 v39, v28;
	v22 =	vmul.f32 v22, v34;
	v33 =	vld.idx.msk [tilespmem:v38+s7+$0x0], $0xffff  }
0x48: {  	v13 =	vmul.f32 v13, v15;
	v15 =	vld.idx.msk [tilespmem:v20+s7+$0x0], $0xffff;
	v20 =	vmul.f32 v23, v30;
	v23 =	vadd.s32 $0x80, v0  }
0x49: {  	v19 =	vmul.f32 v19, v27;
	v10 =	vmul.f32 v10, v14;
	v14 =	vadd.s32 $0x100, v0;
	v27 =	vld.idx.msk [tilespmem:v35+s7+$0x0], $0xffff  }
0x4a: {  	v16 =	vmul.f32 v16, v24;
	v18 =	vmul.f32 v18, v26;
	v24 =	vadd.s32 $0x180, v0;
	v12 =	vld.idx.msk [tilespmem:v12+s7+$0x0], $0xffff  }
0x4b: {  	v17 =	vmul.f32 v17, v25;
	v25 =	vmul.f32 v36, v31;
	v0 =	vadd.s32 $0x200, v0;
	v26 =	vld.idx.msk [tilespmem:v32+s7+$0x0], $0xffff  }
0x4c: {  	v21 =	vmul.f32 v21, v28;
	v22 =	vmul.f32 v29, v22;
	v1 =	vld.idx.msk [tilespmem:v1+s7+$0x0], $0xffff  }
0x4d: {  	v3 =	vmul.f32 v3, v13;
	v11 =	vmul.f32 v11, v20;
	v13 =	vld.idx.msk [tilespmem:v23+s7+$0x0], $0xffff  }
0x4e: {  	s18 =	sadd.s32 $0x80, s18;
	v2 =	vmul.f32 v2, v10;
	v19 =	vmul.f32 v33, v19;
	v10 =	vld.idx.msk [tilespmem:v14+s7+$0x0], $0xffff  }
0x4f: {  	s19 =	sand.u32 $0x70, s17;
	s20 =	sand.u32 $0xC00, s18;
	v14 =	vmul.f32 v15, v16;
	v15 =	vmul.f32 v27, v18;
	v16 =	vld.idx.msk [tilespmem:v24+s7+$0x0], $0xffff  }
0x50: {  	s19 =	sor.u32 s19, s20;
	v9 =	vmul.f32 v9, v25;
	v12 =	vmul.f32 v12, v17;
	v17 =	vld.idx.msk [tilespmem:v0+s7+$0x0], $0xffff  }
0x51: {  	v8 =	vmul.f32 v8, v21;
	v20 =	vmul.f32 v26, v22;
	v18 =	vld [tilespmem:s19+$0x200]  }
0x52: {  	v6 =	vmul.f32 v6, v19;
	v19 =	vmul.f32 v1, v11;
	v0 =	vld [tilespmem:s19+$0x1080]  }
0x53: {  	s21 =	sor.u32 s18, s17;
	v7 =	vmul.f32 v7, v14;
	v9 =	vmul.f32 v13, v9;
	v1 =	vld [tilespmem:s19+$0x1000]  }
0x54: {  	s21 =	sor.u32 $0x380, s21;
	v2 =	vadd.f32 v2, v3;
	v5 =	vmul.f32 v5, v15;
	v8 =	vmul.f32 v10, v8;
	v24 =	vld [tilespmem:s19+$0x100]  }
0x55: {  	v3 =	vmul.f32 v4, v12;
	v4 =	vmul.f32 v16, v20;
	v6 =	vadd.f32 v9, v6;
	v11 =	vld [tilespmem:s21+$0x0]  }
0x56: {  	v2 =	vmul.f32 $5.000000000e-01, v2;
	v9 =	vmul.f32 v17, v19;
	v7 =	vadd.f32 v8, v7;
	v25 =	vld [tilespmem:s19+$0x0]  }
0x57: {  	v6 =	vmul.f32 $5.000000000e-01, v6;
	v4 =	vadd.f32 v4, v5;
	v28 =	vld [tilespmem:s19+$0x80]  }
0x58: {  	s20 =	sor.u32 s20, s17;
	v3 =	vadd.f32 v9, v3;
	v30 =	vld [tilespmem:s19+$0x280];
	[tilespmem:s15+$0x2400] =	vst v2;
	v2 =	vmul.f32 $5.000000000e-01, v7  }
0x59: {  	s20 =	sor.u32 $0x180, s20;
	v4 =	vmul.f32 $5.000000000e-01, v4;
	v36 =	vld [tilespmem:s19+$0x300];
	[tilespmem:s15+$0x2480] =	vst v6  }
0x5a: {  	v5 =	vmul.f32 $5.000000000e-01, v3;
	v12 =	vld [tilespmem:s20+$0x0];
	[tilespmem:s15+$0x2500] =	vst v2  }
0x5b: {  	v3 =	vld.idx.msk [tilespmem:v18+s7+$0x0], $0xffff;
	[tilespmem:s16+$0x2400] =	vst v4;
	s16 =	smov.u32 s20  }
0x5c: {  	v2 =	vld.idx.msk [tilespmem:v0+s7+$0x0], $0xffff;
	[tilespmem:s15+$0x2600] =	vst v5;
	s15 =	smov.u32 s19  }
0x5d: {  	v10 =	vld.idx.msk [tilespmem:v1+s7+$0x0], $0xffff  }
0x5e: {  	v15 =	vld.idx.msk [tilespmem:v24+s7+$0x0], $0xffff  }
0x5f: {  	v14 =	vld.idx.msk [tilespmem:v11+s7+$0x0], $0xffff  }
0x60: {  	v4 =	vadd.s32 $0x80, v18;
	v20 =	vld.idx.msk [tilespmem:v25+s7+$0x0], $0xffff  }
0x61: {  	v5 =	vadd.s32 $0x100, v18;
	v22 =	vld.idx.msk [tilespmem:v28+s7+$0x0], $0xffff  }
0x62: {  	v8 =	vadd.s32 $0x180, v18;
	v21 =	vld.idx.msk [tilespmem:v30+s7+$0x0], $0xffff  }
0x63: {  	v9 =	vadd.s32 $0x200, v18;
	v23 =	vld.idx.msk [tilespmem:v36+s7+$0x0], $0xffff  }
0x64: {  	v16 =	vadd.s32 $0x80, v1;
	v13 =	vld.idx.msk [tilespmem:v12+s7+$0x0], $0xffff  }
0x65: {  	v17 =	vadd.s32 $0x100, v1;
	v6 =	vld.idx.msk [tilespmem:v4+s7+$0x0], $0xffff  }
0x66: {  	v18 =	vadd.s32 $0x80, v24;
	v7 =	vld.idx.msk [tilespmem:v5+s7+$0x0], $0xffff  }
0x67: {  	v26 =	vadd.s32 $0x100, v24;
	v5 =	vld.idx.msk [tilespmem:v8+s7+$0x0], $0xffff  }
0x68: {  	v27 =	vadd.s32 $0x180, v24;
	v4 =	vld.idx.msk [tilespmem:v9+s7+$0x0], $0xffff  }
0x69: {  	v24 =	vadd.s32 $0x200, v24;
	v9 =	vld.idx.msk [tilespmem:v16+s7+$0x0], $0xffff  }
0x6a: {  	v29 =	vadd.s32 $0x80, v25;
	v8 =	vld.idx.msk [tilespmem:v17+s7+$0x0], $0xffff  }
0x6b: {  	v31 =	vadd.s32 $0x100, v25;
	v19 =	vld.idx.msk [tilespmem:v18+s7+$0x0], $0xffff  }
0x6c: {  	v32 =	vadd.s32 $0x180, v25;
	v16 =	vld.idx.msk [tilespmem:v26+s7+$0x0], $0xffff  }
0x6d: {  	v25 =	vadd.s32 $0x200, v25;
	v18 =	vld.idx.msk [tilespmem:v27+s7+$0x0], $0xffff  }
0x6e: {  	v33 =	vadd.s32 $0x80, v28;
	v17 =	vld.idx.msk [tilespmem:v24+s7+$0x0], $0xffff  }
0x6f: {  	v27 =	vld.idx.msk [tilespmem:v29+s7+$0x0], $0xffff;
	v29 =	vadd.s32 $0x100, v28  }
0x70: {  	v24 =	vld.idx.msk [tilespmem:v31+s7+$0x0], $0xffff;
	v31 =	vadd.s32 $0x180, v28  }
0x71: {  	v28 =	vadd.s32 $0x200, v28;
	v26 =	vld.idx.msk [tilespmem:v32+s7+$0x0], $0xffff  }
0x72: {  	v34 =	vadd.s32 $0x80, v30;
	v25 =	vld.idx.msk [tilespmem:v25+s7+$0x0], $0xffff  }
0x73: {  	v37 =	vadd.s32 $0x100, v30;
	v35 =	vld.idx.msk [tilespmem:v33+s7+$0x0], $0xffff  }
0x74: {  	v41 =	vadd.s32 $0x180, v30;
	v29 =	vld.idx.msk [tilespmem:v29+s7+$0x0], $0xffff  }
0x75: {  	v30 =	vadd.s32 $0x200, v30;
	v32 =	vld.idx.msk [tilespmem:v31+s7+$0x0], $0xffff  }
.Ltmp0:
0x76: {  	v40 =	vadd.s32 $0x80, v36;
	v31 =	vld.idx.msk [tilespmem:v28+s7+$0x0], $0xffff;
	(pc) =	sbr.rel @p0 .LBB2_2-.Ltmp0, $4  }
0x77: {  	v39 =	vadd.s32 $0x100, v36;
	v33 =	vld.idx.msk [tilespmem:v34+s7+$0x0], $0xffff  }
0x78: {  	v38 =	vadd.s32 $0x180, v36;
	v28 =	vld.idx.msk [tilespmem:v37+s7+$0x0], $0xffff  }
0x79: {  	v37 =	vadd.s32 $0x200, v36;
	v34 =	vld.idx.msk [tilespmem:v41+s7+$0x0], $0xffff  }
0x7a: {  	s17 =	sadd.s32 $0x10, s17;
	v36 =	vadd.s32 $0x80, v11;
	v30 =	vld.idx.msk [tilespmem:v30+s7+$0x0], $0xffff  }
0x7b: {  	_ =	sdelay $0x3  }
0x7c: {  	v40 =	vld.idx.msk [tilespmem:v40+s7+$0x0], $0xffff;
	v41 =	vadd.s32 $0x100, v11  }
0x7d: {  	v39 =	vld.idx.msk [tilespmem:v39+s7+$0x0], $0xffff;
	v42 =	vadd.s32 $0x180, v11  }
0x7e: {  	v20 =	vmul.f32 v22, v20;
	v57 =	vld.idx.msk [tilespmem:v38+s7+$0x0], $0xffff;
	v58 =	vadd.s32 $0x200, v11  }
0x7f: {  	v21 =	vmul.f32 v23, v21;
	v59 =	vadd.s32 $0x80, v12;
	v37 =	vld.idx.msk [tilespmem:v37+s7+$0x0], $0xffff;
	v27 =	vmul.f32 v35, v27  }
0x80: {  	v60 =	vadd.s32 $0x100, v12;
	v36 =	vld.idx.msk [tilespmem:v36+s7+$0x0], $0xffff;
	v24 =	vmul.f32 v29, v24;
	v26 =	vmul.f32 v32, v26  }
0x81: {  	v61 =	vadd.s32 $0x180, v12;
	v25 =	vmul.f32 v31, v25;
	v15 =	vmul.f32 v15, v20;
	v62 =	vld.idx.msk [tilespmem:v41+s7+$0x0], $0xffff  }
0x82: {  	v63 =	vadd.s32 $0x200, v12;
	v14 =	vmul.f32 v14, v21;
	v19 =	vmul.f32 v19, v27;
	v38 =	vld.idx.msk [tilespmem:v42+s7+$0x0], $0xffff  }
0x83: {  	v45 =	vadd.s32 $0x80, v0;
	v16 =	vmul.f32 v16, v24;
	v18 =	vmul.f32 v18, v26;
	v11 =	vld.idx.msk [tilespmem:v58+s7+$0x0], $0xffff  }
0x84: {  	v43 =	vadd.s32 $0x200, v1;
	v17 =	vmul.f32 v17, v25;
	v13 =	vmul.f32 v13, v15;
	v23 =	vld.idx.msk [tilespmem:v59+s7+$0x0], $0xffff  }
0x85: {  	v10 =	vmul.f32 v10, v14;
	v41 =	vmul.f32 v40, v33;
	v42 =	vadd.s32 $0x180, v1;
	v20 =	vld.idx.msk [tilespmem:v60+s7+$0x0], $0xffff  }
0x86: {  	v47 =	vadd.s32 $0x100, v0;
	v28 =	vmul.f32 v39, v28;
	v22 =	vmul.f32 v57, v34;
	v46 =	vld.idx.msk [tilespmem:v61+s7+$0x0], $0xffff  }
0x87: {  	v48 =	vadd.s32 $0x180, v0;
	v44 =	vmul.f32 v37, v30;
	v12 =	vld.idx.msk [tilespmem:v63+s7+$0x0], $0xffff;
	v49 =	vmul.f32 v36, v41  }
0x88: {  	v51 =	vadd.s32 $0x200, v0;
	v53 =	vld.idx.msk [tilespmem:v45+s7+$0x0], $0xffff;
	v3 =	vmul.f32 v3, v13;
	v2 =	vmul.f32 v2, v10  }
0x89: {  	v1 =	vld.idx.msk [tilespmem:v43+s7+$0x0], $0xffff;
	v9 =	vmul.f32 v9, v49;
	v52 =	vmul.f32 v62, v28  }
0x8a: {  	v50 =	vld.idx.msk [tilespmem:v42+s7+$0x0], $0xffff;
	v22 =	vmul.f32 v38, v22;
	v11 =	vmul.f32 v11, v44  }
0x8b: {  	v55 =	vld.idx.msk [tilespmem:v47+s7+$0x0], $0xffff;
	v2 =	vadd.f32 v2, v3;
	v54 =	vmul.f32 v23, v19;
	v16 =	vmul.f32 v20, v16  }
0x8c: {  	v56 =	vld.idx.msk [tilespmem:v48+s7+$0x0], $0xffff;
	v14 =	vmul.f32 v46, v18;
	v12 =	vmul.f32 v12, v17  }
0x8d: {  	v0 =	vld.idx.msk [tilespmem:v51+s7+$0x0], $0xffff;
	v60 =	vmul.f32 $5.000000000e-01, v2;
	v9 =	vmul.f32 v53, v9  }
0x8e: {  	v8 =	vmul.f32 v8, v52;
	v6 =	vmul.f32 v6, v54  }
0x8f: {  	v1 =	vmul.f32 v1, v11;
	v57 =	vmul.f32 v50, v22  }
0x90: {  	v7 =	vmul.f32 v7, v16;
	v8 =	vmul.f32 v55, v8  }
0x91: {  	v5 =	vmul.f32 v5, v14;
	v6 =	vadd.f32 v9, v6;
	v59 =	vmul.f32 v56, v57  }
0x92: {  	v58 =	vmul.f32 v4, v12;
	v0 =	vmul.f32 v0, v1;
	v61 =	vadd.f32 v8, v7  }
0x93: {  	v6 =	vmul.f32 $5.000000000e-01, v6;
	v4 =	vadd.f32 v59, v5  }
0x94: {  	[tilespmem:s15+$0x2400] =	vst v60;
	v0 =	vadd.f32 v0, v58;
	v62 =	vmul.f32 $5.000000000e-01, v61  }
0x95: {  	[tilespmem:s15+$0x2480] =	vst v6;
	v63 =	vmul.f32 $5.000000000e-01, v4  }
0x96: {  	s14 =	sadd.s32 $0x1, s14;
	v0 =	vmul.f32 $5.000000000e-01, v0;
	[tilespmem:s15+$0x2500] =	vst v62  }
0x97: {  	p0 =	sne.s32 s14, s6;
	[tilespmem:s16+$0x2400] =	vst v63  }
.Ltmp1:
0x98: {  	[tilespmem:s15+$0x2600] =	vst v0;
	(pc) =	sbr.rel @p0 .LBB2_1-.Ltmp1, $4  }
0x99: {  	[hbm4b:s5+s3] =	stream.linear.scatter [tilespmem:s12], [sflag:$0x3], $0x1000, $0x38;
	[tilespmem:$0x3400] =	vst v63  }
0x9a: {  	_ =	swait.ge [sflag:s13], $0x1000  }
0x9b: {  	[sflag:s13] =	ssyncset.done $0x0  }
0x9c: {  	[sflag:s13] =	ssyncadd.s32 $0xFFFFF000  }
0x9d: {  	_ =	sfence.sel $0x180000  }
0x9e: {  	[bflag:$0x0] =	sbarrier.arrive $0xFFFF  }
0x9f: {  	p0 =	sne.s32 s2, $0x0;
	_ =	strace $0x90000047  }
0xa0: {  	s0 =	sadd.s32 @!p0 $0x100000, s0;
	[bflag:$0x2] =	sbarrier.arrive $0xFFFF  }
0xa1: {  	[sflag:s0] =	ssyncadd.tile.s32 @!p0 $0x1;
	_ =	shalt  }
.Lfunc_end2:
_tile_overlayer_lowered:
.L_overlay_start_2:
0xa2: {  	(tag) =	ssettag $0x2  }
0xa3: {  	s0 =	rddreg [dreg:$0x0];
	s2 =	stileid.u32  }
0xa4: {  	s1 =	rddreg [dreg:$0x1];
	p0 =	sne.s32 s2, $0x0  }
0xa5: {  	s3 =	rddreg [dreg:$0x2];
	[bflag:$0x3] =	sbarrier.arrive $0xFFFF;
	s2 =	simm.s32 @!p0 $0x1C03  }
0xa6: {  	[timem:s3], [sflag:s2] =	dma.local @!p0 [hbm:s0], s1  }
0xa7: {  	s0 =	simm.s32 @!p0 $0x3  }
0xa8: {  	_ =	swait.ge @!p0 [sflag:s0], s1  }
0xa9: {  	s1 =	ssub.s32 @!p0 $0x0, s1;
	[sflag:s0] =	ssyncset.done @!p0 $0x0  }
0xaa: {  	[sflag:s0] =	ssyncadd.s32 @!p0 s1  }
0xab: {  	[bflag:$0x3] =	sbarrier.arrive $0xFFFF  }
0xac: {  	_ =	shalt  }

</sc_bundles>
